<compile_context>
chip_gen: v7x
topology: tpu7x:2x2x1
jax: 0.10.2.dev20260603
libtpu: 0.0.44.dev20260713+nightly
codegen_flags: <defaults>
</compile_context>

<pallas_src>
import functools

import numpy as np
import jax
import jax.numpy as jnp
from jax import lax
from jax.experimental import pallas as pl
from jax.experimental.pallas import tpu as pltpu
from jax.experimental.pallas import tpu_sc as plsc

NPERSEG = 128
NREF = 64
STEP = 64
NSEG = 7
F = 65
B = 8
N = 4096
L = 512
NB = 2048

_HP = lax.Precision.HIGHEST


def _dft_consts():
    k = np.arange(NPERSEG)
    f = np.arange(F)
    ang = -2.0 * np.pi * np.outer(k, f) / NPERSEG
    return np.cos(ang).astype(np.float32), np.sin(ang).astype(np.float32)


_WR_NP, _WI_NP = _dft_consts()


def _scores_body(tgt_ref, db_ref, win_ref, wr_ref, wi_ref, out_ref):
    win = win_ref[0, :]
    wr = wr_ref[...]
    wi = wi_ref[...]
    dn = (((1,), (0,)), ((), ()))
    dbb = db_ref[0]
    b = pl.program_id(0)
    tg = tgt_ref[pl.ds(b, 1), :]

    Xr, Xi = [], []
    pxx = None
    for s in range(NSEG):
        ts = tg[:, s * STEP:s * STEP + NPERSEG] * win
        xr = lax.dot_general(ts, wr, dn, precision=_HP,
                             preferred_element_type=jnp.float32)
        xi = lax.dot_general(ts, wi, dn, precision=_HP,
                             preferred_element_type=jnp.float32)
        Xr.append(xr)
        Xi.append(xi)
        t = xr * xr + xi * xi
        pxx = t if pxx is None else pxx + t
    pxx = pxx / np.float32(NSEG)

    syy = sxyr = sxyi = None
    for s in range(NSEG):
        xs = dbb[:, s * STEP:s * STEP + NPERSEG] * win
        yr = lax.dot_general(xs, wr, dn, precision=_HP,
                             preferred_element_type=jnp.float32)
        yi = lax.dot_general(xs, wi, dn, precision=_HP,
                             preferred_element_type=jnp.float32)
        t0 = yr * yr + yi * yi
        t1 = Xr[s] * yr + Xi[s] * yi
        t2 = Xi[s] * yr - Xr[s] * yi
        if syy is None:
            syy, sxyr, sxyi = t0, t1, t2
        else:
            syy, sxyr, sxyi = syy + t0, sxyr + t1, sxyi + t2
    pyy = syy / np.float32(NSEG)
    pxyr = sxyr / np.float32(NSEG)
    pxyi = sxyi / np.float32(NSEG)
    cxy = (pxyr * pxyr + pxyi * pxyi) / (pxx * pyy + np.float32(1e-12))
    out_ref[0, 0, :] = jnp.sum(cxy, axis=1) / np.float32(F)


def _topk_body(scores_ref, out_ref):
    s = scores_ref[:, 0, :]
    lane = lax.broadcasted_iota(jnp.int32, (B, N), 1)
    row_base = lax.broadcasted_iota(jnp.int32, (B, 1), 0) * N
    kiota = lax.broadcasted_iota(jnp.int32, (B, NREF), 1)

    def step(k, carry):
        s, acc = carry
        m = jnp.max(s, axis=1, keepdims=True)
        hit = s == m
        idx = jnp.min(jnp.where(hit, lane, jnp.int32(N)), axis=1,
                      keepdims=True)
        acc = jnp.where(kiota == k, idx + row_base, acc)
        s = jnp.where(lane == idx, jnp.float32(-1.0), s)
        return s, acc

    _, acc = lax.fori_loop(0, NREF, step,
                           (s, jnp.zeros((B, NREF), jnp.int32)))
    out_ref[...] = acc


def _tc_scores(tgt, db, win, wr, wi):
    return pl.pallas_call(
        _scores_body,
        grid=(B, N // NB),
        in_specs=[
            pl.BlockSpec((B, L), lambda b, n: (0, 0)),
            pl.BlockSpec((1, NB, L), lambda b, n: (b, n, 0)),
            pl.BlockSpec((1, NPERSEG), lambda b, n: (0, 0)),
            pl.BlockSpec((NPERSEG, F), lambda b, n: (0, 0)),
            pl.BlockSpec((NPERSEG, F), lambda b, n: (0, 0)),
        ],
        out_specs=pl.BlockSpec((1, 1, NB), lambda b, n: (b, 0, n)),
        out_shape=jax.ShapeDtypeStruct((B, 1, N), jnp.float32),
    )(tgt, db, win, wr, wi)


def _tc_topk(scores):
    return pl.pallas_call(
        _topk_body,
        out_shape=jax.ShapeDtypeStruct((B, NREF), jnp.int32),
    )(scores)


def _sc_gather(db_flat, idx_flat):
    info = plsc.get_sparse_core_info()
    nw = info.num_cores * info.num_subcores
    rows = B * NREF
    per_w = rows // nw
    mesh = plsc.VectorSubcoreMesh(core_axis_name="c", subcore_axis_name="s")

    @functools.partial(
        pl.kernel,
        mesh=mesh,
        out_type=jax.ShapeDtypeStruct((rows, L), jnp.float32),
        scratch_types=[
            pltpu.VMEM((per_w,), jnp.int32),
            pltpu.VMEM((per_w, L), jnp.float32),
            pltpu.SemaphoreType.DMA,
        ],
    )
    def k(db_hbm, idx_hbm, out_hbm, idx_v, rows_v, sem):
        wid = lax.axis_index("s") * info.num_cores + lax.axis_index("c")
        base = wid * per_w
        pltpu.sync_copy(idx_hbm.at[pl.ds(base, per_w)], idx_v)
        pltpu.async_copy(db_hbm.at[idx_v], rows_v, sem).wait()
        pltpu.sync_copy(rows_v, out_hbm.at[pl.ds(base, per_w)])

    return k(db_flat, idx_flat)


def kernel(target_series, TS_database):
    tgt = jnp.squeeze(target_series, axis=1)
    win = (0.5 - 0.5 * jnp.cos(
        2.0 * jnp.pi * jnp.arange(NPERSEG, dtype=jnp.float32) / NPERSEG
    ))[None, :]
    T = jnp.fft.rfft(jnp.eye(NPERSEG, dtype=jnp.float32), axis=-1)
    wr = jnp.real(T).astype(jnp.float32)
    wi = jnp.imag(T).astype(jnp.float32)
    scores = _tc_scores(tgt, TS_database, win, wr, wi)
    flat_idx = _tc_topk(scores)
    out = _sc_gather(TS_database.reshape(B * N, L),
                     flat_idx.reshape(B * NREF))
    return out.reshape(B, NREF, L)

# --- scband reference (transcript-rebuilt; emitter-appended) ---
"""Pipeline reference for scband-ts-coher-analysis-32195074851199 (READ-ONLY COPY).

The authoritative reference and input builder live on the scoring server;
editing this copy changes nothing except your own understanding.
"""

import jax, jax.numpy as jnp
import numpy as np

NPERSEG = 128
NREF = 64


def _segments(x, nperseg, step):
    L = x.shape[-1]
    n_seg = (L - nperseg) // step + 1
    idx = np.arange(n_seg)[:, None] * step + np.arange(nperseg)[None, :]
    return x[..., idx]


def _coherence_scores(target, db, nperseg):
    # target: [B, L], db: [B, N, L] -> scores [B, N]
    step = nperseg // 2
    win = 0.5 - 0.5 * jnp.cos(2.0 * jnp.pi * jnp.arange(nperseg, dtype=jnp.float32) / nperseg)
    tx = _segments(target, nperseg, step) * win          # [B, n_seg, nperseg]
    dx = _segments(db, nperseg, step) * win              # [B, N, n_seg, nperseg]
    X = jnp.fft.rfft(tx, axis=-1)[:, None, :, :]         # [B, 1, n_seg, F]
    Y = jnp.fft.rfft(dx, axis=-1)                        # [B, N, n_seg, F]
    Pxx = jnp.mean(jnp.real(X * jnp.conj(X)), axis=-2)   # [B, 1, F]
    Pyy = jnp.mean(jnp.real(Y * jnp.conj(Y)), axis=-2)   # [B, N, F]
    Pxy = jnp.mean(X * jnp.conj(Y), axis=-2)             # [B, N, F]
    cxy = jnp.real(Pxy * jnp.conj(Pxy)) / (Pxx * Pyy + 1e-12)
    return jnp.mean(cxy, axis=-1)                        # [B, N]


def setup_inputs(seed: int = 0):
    key = jax.random.key(seed)
    k1, k2 = jax.random.split(key)
    target_series = jax.random.normal(k1, (8, 1, 512), dtype=jnp.float32)
    TS_database = jax.random.normal(k2, (8, 4096, 512), dtype=jnp.float32)
    return {"target_series": target_series, "TS_database": TS_database}


def reference(target_series, TS_database):
    target = jnp.squeeze(target_series, axis=1)                 # [B, L]
    scores = _coherence_scores(target, TS_database, NPERSEG)    # [B, N]
    _, topk_idx = jax.lax.top_k(scores, NREF)                   # [B, nref]
    return jnp.take_along_axis(TS_database, topk_idx[:, :, None], axis=1)  # [B, nref, L]

if __name__ == "__main__":
    import jax
    _d = setup_inputs()
    print(jax.jit(kernel)(*tuple(_d.values())))

</pallas_src>

<mosaic_0001>
#map = affine_map<(d0, d1) -> (0, 0)>
#map1 = affine_map<(d0, d1) -> (0)>
module attributes {stable_mosaic.version = 14 : i64} {
  func.func @k(%arg0: i32, %arg1: i32, %arg2: memref<32768x512xf32, #tpu.memory_space<hbm>>, %arg3: memref<512xi32, #tpu.memory_space<hbm>>, %arg4: memref<512x512xf32, #tpu.memory_space<hbm>>, %arg5: memref<16xi32, #tpu.memory_space<vmem>>, %arg6: memref<16x512xf32, #tpu.memory_space<vmem>>, %arg7: memref<!tpu.dma_semaphore, #tpu.memory_space<semaphore_mem>>) attributes {dimension_semantics = [#tpu.dimension_semantics<core_parallel>, #tpu.dimension_semantics<subcore_parallel>], iteration_bounds = array<i64: 2, 16>, scalar_prefetch = 0 : i64, scratch_operands = 3 : i64, tpu.core_type = #tpu.core_type<sc_vector_subcore>, window_params = [{transform_indices = #map}, {transform_indices = #map1}, {transform_indices = #map}]} {
    %mul3A = arith.constant 2 : i32
    %mul3A_0 = arith.muli %arg1, %mul3A : i32
    %add3A = arith.addi %mul3A_0, %arg0 : i32
    %mul3A_1 = arith.constant 16 : i32
    %mul3A_2 = arith.muli %add3A, %mul3A_1 : i32
    "tpu.region"() ({
      %run_scoped3A = tpu.sem_alloc : memref<!tpu.dma_semaphore, #tpu.memory_space<semaphore_mem>>
      %dma_start3A_7 = tpu.memref_slice %arg3[%mul3A_2] : memref<512xi32, #tpu.memory_space<hbm>> -> memref<16xi32, #tpu.memory_space<hbm>>
      %dma_start3A_8 = tpu.memref_slice %arg3[%mul3A_2] : memref<512xi32, #tpu.memory_space<hbm>> -> memref<16xi32, #tpu.memory_space<hbm>>
      tpu.enqueue_dma source(%dma_start3A_8 : memref<16xi32, #tpu.memory_space<hbm>>) target(%arg5 : memref<16xi32, #tpu.memory_space<vmem>>) target_semaphore(%run_scoped3A : memref<!tpu.dma_semaphore, #tpu.memory_space<semaphore_mem>>)
      %dma_wait3A_9 = tpu.memref_slice %arg3[%mul3A_2] : memref<512xi32, #tpu.memory_space<hbm>> -> memref<16xi32, #tpu.memory_space<hbm>>
      %dma_wait3A_10 = tpu.memref_slice %arg3[%mul3A_2] : memref<512xi32, #tpu.memory_space<hbm>> -> memref<16xi32, #tpu.memory_space<hbm>>
      tpu.wait_dma2 semaphore(%run_scoped3A : memref<!tpu.dma_semaphore, #tpu.memory_space<semaphore_mem>>) src(%dma_wait3A_10 : memref<16xi32, #tpu.memory_space<hbm>>) dst(%arg5 : memref<16xi32, #tpu.memory_space<vmem>>)
      tpu.yield
    }) : () -> ()
    %dma_start3A = arith.constant 0 : i32
    %dma_start3A_3 = arith.constant 0 : i32
    %dma_start3A_4 = tpu.memref_slice %arg2[%dma_start3A, %dma_start3A_3] : memref<32768x512xf32, #tpu.memory_space<hbm>> -> memref<32768x512xf32, #tpu.memory_space<hbm>>
    tpu.enqueue_indirect_dma source(%dma_start3A_4 : memref<32768x512xf32, #tpu.memory_space<hbm>>) target(%arg6 : memref<16x512xf32, #tpu.memory_space<vmem>>) offsets(%arg5 : memref<16xi32, #tpu.memory_space<vmem>>) semaphore(%arg7 : memref<!tpu.dma_semaphore, #tpu.memory_space<semaphore_mem>>)
    %dma_wait3A = arith.constant 0 : i32
    %dma_wait3A_5 = arith.constant 0 : i32
    %dma_wait3A_6 = tpu.memref_slice %arg2[%dma_wait3A, %dma_wait3A_5] : memref<32768x512xf32, #tpu.memory_space<hbm>> -> memref<32768x512xf32, #tpu.memory_space<hbm>>
    tpu.wait_indirect_dma semaphore(%arg7 : memref<!tpu.dma_semaphore, #tpu.memory_space<semaphore_mem>>) src(%dma_wait3A_6 : memref<32768x512xf32, #tpu.memory_space<hbm>>) dst(%arg6 : memref<16x512xf32, #tpu.memory_space<vmem>>)
    "tpu.region"() ({
      %run_scoped3A = tpu.sem_alloc : memref<!tpu.dma_semaphore, #tpu.memory_space<semaphore_mem>>
      %dma_start3A_7 = arith.constant 0 : i32
      %dma_start3A_8 = tpu.memref_slice %arg4[%mul3A_2, %dma_start3A_7] : memref<512x512xf32, #tpu.memory_space<hbm>> -> memref<16x512xf32, #tpu.memory_space<hbm>>
      %dma_start3A_9 = arith.constant 0 : i32
      %dma_start3A_10 = tpu.memref_slice %arg4[%mul3A_2, %dma_start3A_9] : memref<512x512xf32, #tpu.memory_space<hbm>> -> memref<16x512xf32, #tpu.memory_space<hbm>>
      tpu.enqueue_dma source(%arg6 : memref<16x512xf32, #tpu.memory_space<vmem>>) target(%dma_start3A_10 : memref<16x512xf32, #tpu.memory_space<hbm>>) target_semaphore(%run_scoped3A : memref<!tpu.dma_semaphore, #tpu.memory_space<semaphore_mem>>)
      %dma_wait3A_11 = arith.constant 0 : i32
      %dma_wait3A_12 = tpu.memref_slice %arg4[%mul3A_2, %dma_wait3A_11] : memref<512x512xf32, #tpu.memory_space<hbm>> -> memref<16x512xf32, #tpu.memory_space<hbm>>
      %dma_wait3A_13 = arith.constant 0 : i32
      %dma_wait3A_14 = tpu.memref_slice %arg4[%mul3A_2, %dma_wait3A_13] : memref<512x512xf32, #tpu.memory_space<hbm>> -> memref<16x512xf32, #tpu.memory_space<hbm>>
      tpu.wait_dma2 semaphore(%run_scoped3A : memref<!tpu.dma_semaphore, #tpu.memory_space<semaphore_mem>>) src(%arg6 : memref<16x512xf32, #tpu.memory_space<vmem>>) dst(%dma_wait3A_14 : memref<16x512xf32, #tpu.memory_space<hbm>>)
      tpu.yield
    }) : () -> ()
    return
  }
}

module attributes {stable_mosaic.version = 14 : i64} {
  func.func @_scores_body(%arg0: i32, %arg1: i32, %arg2: memref<8x512xf32, #tpu.memory_space<vmem>>, %arg3: memref<1x2048x512xf32, #tpu.memory_space<vmem>>, %arg4: memref<1x128xf32, #tpu.memory_space<vmem>>, %arg5: memref<128x65xf32, #tpu.memory_space<vmem>>, %arg6: memref<128x65xf32, #tpu.memory_space<vmem>>, %arg7: memref<1x1x2048xf32, #tpu.memory_space<vmem>>) attributes {dimension_semantics = [#tpu.dimension_semantics<arbitrary>, #tpu.dimension_semantics<arbitrary>], iteration_bounds = array<i64: 8, 2>, scalar_prefetch = 0 : i64, scratch_operands = 0 : i64, tpu.core_type = #tpu.core_type<tc>, window_params = [{pipeline_mode = #tpu.pipeline_mode<synchronous>, transform_indices = @transform_0, window_bounds = array<i64: 8, 512>}, {transform_indices = @transform_1, window_bounds = array<i64: 1, 2048, 512>}, {pipeline_mode = #tpu.pipeline_mode<synchronous>, transform_indices = @transform_2, window_bounds = array<i64: 1, 128>}, {pipeline_mode = #tpu.pipeline_mode<synchronous>, transform_indices = @transform_3, window_bounds = array<i64: 128, 65>}, {pipeline_mode = #tpu.pipeline_mode<synchronous>, transform_indices = @transform_4, window_bounds = array<i64: 128, 65>}, {transform_indices = @transform_5, window_bounds = array<i64: 1, 1, 2048>}]} {
    %get3A = arith.constant 0 : index
    %get3A_0 = arith.constant 0 : index
    %get3A_1 = vector.load %arg4[%get3A, %get3A_0] : memref<1x128xf32, #tpu.memory_space<vmem>>, vector<1x128xf32>
    %get3A_2 = vector.shape_cast %get3A_1 : vector<1x128xf32> to vector<128xf32>
    %get3A_3 = arith.constant 0 : index
    %get3A_4 = arith.constant 0 : index
    %get3A_5 = vector.load %arg5[%get3A_3, %get3A_4] : memref<128x65xf32, #tpu.memory_space<vmem>>, vector<128x65xf32>
    %get3A_6 = arith.constant 0 : index
    %get3A_7 = arith.constant 0 : index
    %get3A_8 = vector.load %arg6[%get3A_6, %get3A_7] : memref<128x65xf32, #tpu.memory_space<vmem>>, vector<128x65xf32>
    %get3A_9 = arith.constant 0 : index
    %get3A_10 = arith.constant 0 : index
    %get3A_11 = arith.constant 0 : index
    %get3A_12 = vector.load %arg3[%get3A_9, %get3A_10, %get3A_11] : memref<1x2048x512xf32, #tpu.memory_space<vmem>>, vector<1x2048x512xf32>
    %get3A_13 = vector.shape_cast %get3A_12 : vector<1x2048x512xf32> to vector<2048x512xf32>
    %get3A_14 = arith.index_cast %arg0 : i32 to index
    %get3A_15 = arith.constant 0 : index
    %get3A_16 = vector.load %arg2[%get3A_14, %get3A_15] : memref<8x512xf32, #tpu.memory_space<vmem>>, vector<1x512xf32>
    %slice3A = vector.extract_strided_slice %get3A_16 {offsets = [0, 0], sizes = [1, 128], strides = [1, 1]} : vector<1x512xf32> to vector<1x128xf32>
    %broadcast_in_dim3A = vector.shape_cast %get3A_2 : vector<128xf32> to vector<1x128xf32>
    %mul3A = arith.mulf %slice3A, %broadcast_in_dim3A : vector<1x128xf32>
    %dot_general3A = arith.constant dense<0.000000e+00> : vector<1x65xf32>
    %dot_general3A_17 = tpu.matmul %mul3A, %get3A_5, %dot_general3A {dimension_numbers = #tpu.dot_dimension_numbers<[1], [0], [0], [1], [0, 0, 1, 1], [], []>, precision = #tpu.contract_precision<fp32>, transpose_lhs_hint = false} : vector<1x128xf32>, vector<128x65xf32>, vector<1x65xf32> -> vector<1x65xf32>
    %dot_general3A_18 = arith.constant dense<0.000000e+00> : vector<1x65xf32>
    %dot_general3A_19 = tpu.matmul %mul3A, %get3A_8, %dot_general3A_18 {dimension_numbers = #tpu.dot_dimension_numbers<[1], [0], [0], [1], [0, 0, 1, 1], [], []>, precision = #tpu.contract_precision<fp32>, transpose_lhs_hint = false} : vector<1x128xf32>, vector<128x65xf32>, vector<1x65xf32> -> vector<1x65xf32>
    %mul3A_20 = arith.mulf %dot_general3A_17, %dot_general3A_17 : vector<1x65xf32>
    %mul3A_21 = arith.mulf %dot_general3A_19, %dot_general3A_19 : vector<1x65xf32>
    %add3A = arith.addf %mul3A_20, %mul3A_21 : vector<1x65xf32>
    %slice3A_22 = vector.extract_strided_slice %get3A_16 {offsets = [0, 64], sizes = [1, 128], strides = [1, 1]} : vector<1x512xf32> to vector<1x128xf32>
    %broadcast_in_dim3A_23 = vector.shape_cast %get3A_2 : vector<128xf32> to vector<1x128xf32>
    %mul3A_24 = arith.mulf %slice3A_22, %broadcast_in_dim3A_23 : vector<1x128xf32>
    %dot_general3A_25 = arith.constant dense<0.000000e+00> : vector<1x65xf32>
    %dot_general3A_26 = tpu.matmul %mul3A_24, %get3A_5, %dot_general3A_25 {dimension_numbers = #tpu.dot_dimension_numbers<[1], [0], [0], [1], [0, 0, 1, 1], [], []>, precision = #tpu.contract_precision<fp32>, transpose_lhs_hint = false} : vector<1x128xf32>, vector<128x65xf32>, vector<1x65xf32> -> vector<1x65xf32>
    %dot_general3A_27 = arith.constant dense<0.000000e+00> : vector<1x65xf32>
    %dot_general3A_28 = tpu.matmul %mul3A_24, %get3A_8, %dot_general3A_27 {dimension_numbers = #tpu.dot_dimension_numbers<[1], [0], [0], [1], [0, 0, 1, 1], [], []>, precision = #tpu.contract_precision<fp32>, transpose_lhs_hint = false} : vector<1x128xf32>, vector<128x65xf32>, vector<1x65xf32> -> vector<1x65xf32>
    %mul3A_29 = arith.mulf %dot_general3A_26, %dot_general3A_26 : vector<1x65xf32>
    %mul3A_30 = arith.mulf %dot_general3A_28, %dot_general3A_28 : vector<1x65xf32>
    %add3A_31 = arith.addf %mul3A_29, %mul3A_30 : vector<1x65xf32>
    %add3A_32 = arith.addf %add3A, %add3A_31 : vector<1x65xf32>
    %slice3A_33 = vector.extract_strided_slice %get3A_16 {offsets = [0, 128], sizes = [1, 128], strides = [1, 1]} : vector<1x512xf32> to vector<1x128xf32>
    %broadcast_in_dim3A_34 = vector.shape_cast %get3A_2 : vector<128xf32> to vector<1x128xf32>
    %mul3A_35 = arith.mulf %slice3A_33, %broadcast_in_dim3A_34 : vector<1x128xf32>
    %dot_general3A_36 = arith.constant dense<0.000000e+00> : vector<1x65xf32>
    %dot_general3A_37 = tpu.matmul %mul3A_35, %get3A_5, %dot_general3A_36 {dimension_numbers = #tpu.dot_dimension_numbers<[1], [0], [0], [1], [0, 0, 1, 1], [], []>, precision = #tpu.contract_precision<fp32>, transpose_lhs_hint = false} : vector<1x128xf32>, vector<128x65xf32>, vector<1x65xf32> -> vector<1x65xf32>
    %dot_general3A_38 = arith.constant dense<0.000000e+00> : vector<1x65xf32>
    %dot_general3A_39 = tpu.matmul %mul3A_35, %get3A_8, %dot_general3A_38 {dimension_numbers = #tpu.dot_dimension_numbers<[1], [0], [0], [1], [0, 0, 1, 1], [], []>, precision = #tpu.contract_precision<fp32>, transpose_lhs_hint = false} : vector<1x128xf32>, vector<128x65xf32>, vector<1x65xf32> -> vector<1x65xf32>
    %mul3A_40 = arith.mulf %dot_general3A_37, %dot_general3A_37 : vector<1x65xf32>
    %mul3A_41 = arith.mulf %dot_general3A_39, %dot_general3A_39 : vector<1x65xf32>
    %add3A_42 = arith.addf %mul3A_40, %mul3A_41 : vector<1x65xf32>
    %add3A_43 = arith.addf %add3A_32, %add3A_42 : vector<1x65xf32>
    %slice3A_44 = vector.extract_strided_slice %get3A_16 {offsets = [0, 192], sizes = [1, 128], strides = [1, 1]} : vector<1x512xf32> to vector<1x128xf32>
    %broadcast_in_dim3A_45 = vector.shape_cast %get3A_2 : vector<128xf32> to vector<1x128xf32>
    %mul3A_46 = arith.mulf %slice3A_44, %broadcast_in_dim3A_45 : vector<1x128xf32>
    %dot_general3A_47 = arith.constant dense<0.000000e+00> : vector<1x65xf32>
    %dot_general3A_48 = tpu.matmul %mul3A_46, %get3A_5, %dot_general3A_47 {dimension_numbers = #tpu.dot_dimension_numbers<[1], [0], [0], [1], [0, 0, 1, 1], [], []>, precision = #tpu.contract_precision<fp32>, transpose_lhs_hint = false} : vector<1x128xf32>, vector<128x65xf32>, vector<1x65xf32> -> vector<1x65xf32>
    %dot_general3A_49 = arith.constant dense<0.000000e+00> : vector<1x65xf32>
    %dot_general3A_50 = tpu.matmul %mul3A_46, %get3A_8, %dot_general3A_49 {dimension_numbers = #tpu.dot_dimension_numbers<[1], [0], [0], [1], [0, 0, 1, 1], [], []>, precision = #tpu.contract_precision<fp32>, transpose_lhs_hint = false} : vector<1x128xf32>, vector<128x65xf32>, vector<1x65xf32> -> vector<1x65xf32>
    %mul3A_51 = arith.mulf %dot_general3A_48, %dot_general3A_48 : vector<1x65xf32>
    %mul3A_52 = arith.mulf %dot_general3A_50, %dot_general3A_50 : vector<1x65xf32>
    %add3A_53 = arith.addf %mul3A_51, %mul3A_52 : vector<1x65xf32>
    %add3A_54 = arith.addf %add3A_43, %add3A_53 : vector<1x65xf32>
    %slice3A_55 = vector.extract_strided_slice %get3A_16 {offsets = [0, 256], sizes = [1, 128], strides = [1, 1]} : vector<1x512xf32> to vector<1x128xf32>
    %broadcast_in_dim3A_56 = vector.shape_cast %get3A_2 : vector<128xf32> to vector<1x128xf32>
    %mul3A_57 = arith.mulf %slice3A_55, %broadcast_in_dim3A_56 : vector<1x128xf32>
    %dot_general3A_58 = arith.constant dense<0.000000e+00> : vector<1x65xf32>
    %dot_general3A_59 = tpu.matmul %mul3A_57, %get3A_5, %dot_general3A_58 {dimension_numbers = #tpu.dot_dimension_numbers<[1], [0], [0], [1], [0, 0, 1, 1], [], []>, precision = #tpu.contract_precision<fp32>, transpose_lhs_hint = false} : vector<1x128xf32>, vector<128x65xf32>, vector<1x65xf32> -> vector<1x65xf32>
    %dot_general3A_60 = arith.constant dense<0.000000e+00> : vector<1x65xf32>
    %dot_general3A_61 = tpu.matmul %mul3A_57, %get3A_8, %dot_general3A_60 {dimension_numbers = #tpu.dot_dimension_numbers<[1], [0], [0], [1], [0, 0, 1, 1], [], []>, precision = #tpu.contract_precision<fp32>, transpose_lhs_hint = false} : vector<1x128xf32>, vector<128x65xf32>, vector<1x65xf32> -> vector<1x65xf32>
    %mul3A_62 = arith.mulf %dot_general3A_59, %dot_general3A_59 : vector<1x65xf32>
    %mul3A_63 = arith.mulf %dot_general3A_61, %dot_general3A_61 : vector<1x65xf32>
    %add3A_64 = arith.addf %mul3A_62, %mul3A_63 : vector<1x65xf32>
    %add3A_65 = arith.addf %add3A_54, %add3A_64 : vector<1x65xf32>
    %slice3A_66 = vector.extract_strided_slice %get3A_16 {offsets = [0, 320], sizes = [1, 128], strides = [1, 1]} : vector<1x512xf32> to vector<1x128xf32>
    %broadcast_in_dim3A_67 = vector.shape_cast %get3A_2 : vector<128xf32> to vector<1x128xf32>
    %mul3A_68 = arith.mulf %slice3A_66, %broadcast_in_dim3A_67 : vector<1x128xf32>
    %dot_general3A_69 = arith.constant dense<0.000000e+00> : vector<1x65xf32>
    %dot_general3A_70 = tpu.matmul %mul3A_68, %get3A_5, %dot_general3A_69 {dimension_numbers = #tpu.dot_dimension_numbers<[1], [0], [0], [1], [0, 0, 1, 1], [], []>, precision = #tpu.contract_precision<fp32>, transpose_lhs_hint = false} : vector<1x128xf32>, vector<128x65xf32>, vector<1x65xf32> -> vector<1x65xf32>
    %dot_general3A_71 = arith.constant dense<0.000000e+00> : vector<1x65xf32>
    %dot_general3A_72 = tpu.matmul %mul3A_68, %get3A_8, %dot_general3A_71 {dimension_numbers = #tpu.dot_dimension_numbers<[1], [0], [0], [1], [0, 0, 1, 1], [], []>, precision = #tpu.contract_precision<fp32>, transpose_lhs_hint = false} : vector<1x128xf32>, vector<128x65xf32>, vector<1x65xf32> -> vector<1x65xf32>
    %mul3A_73 = arith.mulf %dot_general3A_70, %dot_general3A_70 : vector<1x65xf32>
    %mul3A_74 = arith.mulf %dot_general3A_72, %dot_general3A_72 : vector<1x65xf32>
    %add3A_75 = arith.addf %mul3A_73, %mul3A_74 : vector<1x65xf32>
    %add3A_76 = arith.addf %add3A_65, %add3A_75 : vector<1x65xf32>
    %slice3A_77 = vector.extract_strided_slice %get3A_16 {offsets = [0, 384], sizes = [1, 128], strides = [1, 1]} : vector<1x512xf32> to vector<1x128xf32>
    %broadcast_in_dim3A_78 = vector.shape_cast %get3A_2 : vector<128xf32> to vector<1x128xf32>
    %mul3A_79 = arith.mulf %slice3A_77, %broadcast_in_dim3A_78 : vector<1x128xf32>
    %dot_general3A_80 = arith.constant dense<0.000000e+00> : vector<1x65xf32>
    %dot_general3A_81 = tpu.matmul %mul3A_79, %get3A_5, %dot_general3A_80 {dimension_numbers = #tpu.dot_dimension_numbers<[1], [0], [0], [1], [0, 0, 1, 1], [], []>, precision = #tpu.contract_precision<fp32>, transpose_lhs_hint = false} : vector<1x128xf32>, vector<128x65xf32>, vector<1x65xf32> -> vector<1x65xf32>
    %dot_general3A_82 = arith.constant dense<0.000000e+00> : vector<1x65xf32>
    %dot_general3A_83 = tpu.matmul %mul3A_79, %get3A_8, %dot_general3A_82 {dimension_numbers = #tpu.dot_dimension_numbers<[1], [0], [0], [1], [0, 0, 1, 1], [], []>, precision = #tpu.contract_precision<fp32>, transpose_lhs_hint = false} : vector<1x128xf32>, vector<128x65xf32>, vector<1x65xf32> -> vector<1x65xf32>
    %mul3A_84 = arith.mulf %dot_general3A_81, %dot_general3A_81 : vector<1x65xf32>
    %mul3A_85 = arith.mulf %dot_general3A_83, %dot_general3A_83 : vector<1x65xf32>
    %add3A_86 = arith.addf %mul3A_84, %mul3A_85 : vector<1x65xf32>
    %add3A_87 = arith.addf %add3A_76, %add3A_86 : vector<1x65xf32>
    %div3A = arith.constant 7.000000e+00 : f32
    %div3A_88 = vector.broadcast %div3A : f32 to vector<1x65xf32>
    %div3A_89 = arith.divf %add3A_87, %div3A_88 : vector<1x65xf32>
    %slice3A_90 = vector.extract_strided_slice %get3A_13 {offsets = [0, 0], sizes = [2048, 128], strides = [1, 1]} : vector<2048x512xf32> to vector<2048x128xf32>
    %broadcast_in_dim3A_91 = vector.shape_cast %get3A_2 : vector<128xf32> to vector<1x128xf32>
    %mul3A_92 = vector.broadcast %broadcast_in_dim3A_91 : vector<1x128xf32> to vector<2048x128xf32>
    %mul3A_93 = arith.mulf %slice3A_90, %mul3A_92 : vector<2048x128xf32>
    %dot_general3A_94 = arith.constant dense<0.000000e+00> : vector<2048x65xf32>
    %dot_general3A_95 = tpu.matmul %mul3A_93, %get3A_5, %dot_general3A_94 {dimension_numbers = #tpu.dot_dimension_numbers<[1], [0], [0], [1], [0, 0, 1, 1], [], []>, precision = #tpu.contract_precision<fp32>, transpose_lhs_hint = false} : vector<2048x128xf32>, vector<128x65xf32>, vector<2048x65xf32> -> vector<2048x65xf32>
    %dot_general3A_96 = arith.constant dense<0.000000e+00> : vector<2048x65xf32>
    %dot_general3A_97 = tpu.matmul %mul3A_93, %get3A_8, %dot_general3A_96 {dimension_numbers = #tpu.dot_dimension_numbers<[1], [0], [0], [1], [0, 0, 1, 1], [], []>, precision = #tpu.contract_precision<fp32>, transpose_lhs_hint = false} : vector<2048x128xf32>, vector<128x65xf32>, vector<2048x65xf32> -> vector<2048x65xf32>
    %mul3A_98 = arith.mulf %dot_general3A_95, %dot_general3A_95 : vector<2048x65xf32>
    %mul3A_99 = arith.mulf %dot_general3A_97, %dot_general3A_97 : vector<2048x65xf32>
    %add3A_100 = arith.addf %mul3A_98, %mul3A_99 : vector<2048x65xf32>
    %mul3A_101 = vector.broadcast %dot_general3A_17 : vector<1x65xf32> to vector<2048x65xf32>
    %mul3A_102 = arith.mulf %mul3A_101, %dot_general3A_95 : vector<2048x65xf32>
    %mul3A_103 = vector.broadcast %dot_general3A_19 : vector<1x65xf32> to vector<2048x65xf32>
    %mul3A_104 = arith.mulf %mul3A_103, %dot_general3A_97 : vector<2048x65xf32>
    %add3A_105 = arith.addf %mul3A_102, %mul3A_104 : vector<2048x65xf32>
    %mul3A_106 = vector.broadcast %dot_general3A_19 : vector<1x65xf32> to vector<2048x65xf32>
    %mul3A_107 = arith.mulf %mul3A_106, %dot_general3A_95 : vector<2048x65xf32>
    %mul3A_108 = vector.broadcast %dot_general3A_17 : vector<1x65xf32> to vector<2048x65xf32>
    %mul3A_109 = arith.mulf %mul3A_108, %dot_general3A_97 : vector<2048x65xf32>
    %sub3A = arith.subf %mul3A_107, %mul3A_109 : vector<2048x65xf32>
    %slice3A_110 = vector.extract_strided_slice %get3A_13 {offsets = [0, 64], sizes = [2048, 128], strides = [1, 1]} : vector<2048x512xf32> to vector<2048x128xf32>
    %broadcast_in_dim3A_111 = vector.shape_cast %get3A_2 : vector<128xf32> to vector<1x128xf32>
    %mul3A_112 = vector.broadcast %broadcast_in_dim3A_111 : vector<1x128xf32> to vector<2048x128xf32>
    %mul3A_113 = arith.mulf %slice3A_110, %mul3A_112 : vector<2048x128xf32>
    %dot_general3A_114 = arith.constant dense<0.000000e+00> : vector<2048x65xf32>
    %dot_general3A_115 = tpu.matmul %mul3A_113, %get3A_5, %dot_general3A_114 {dimension_numbers = #tpu.dot_dimension_numbers<[1], [0], [0], [1], [0, 0, 1, 1], [], []>, precision = #tpu.contract_precision<fp32>, transpose_lhs_hint = false} : vector<2048x128xf32>, vector<128x65xf32>, vector<2048x65xf32> -> vector<2048x65xf32>
    %dot_general3A_116 = arith.constant dense<0.000000e+00> : vector<2048x65xf32>
    %dot_general3A_117 = tpu.matmul %mul3A_113, %get3A_8, %dot_general3A_116 {dimension_numbers = #tpu.dot_dimension_numbers<[1], [0], [0], [1], [0, 0, 1, 1], [], []>, precision = #tpu.contract_precision<fp32>, transpose_lhs_hint = false} : vector<2048x128xf32>, vector<128x65xf32>, vector<2048x65xf32> -> vector<2048x65xf32>
    %mul3A_118 = arith.mulf %dot_general3A_115, %dot_general3A_115 : vector<2048x65xf32>
    %mul3A_119 = arith.mulf %dot_general3A_117, %dot_general3A_117 : vector<2048x65xf32>
    %add3A_120 = arith.addf %mul3A_118, %mul3A_119 : vector<2048x65xf32>
    %mul3A_121 = vector.broadcast %dot_general3A_26 : vector<1x65xf32> to vector<2048x65xf32>
    %mul3A_122 = arith.mulf %mul3A_121, %dot_general3A_115 : vector<2048x65xf32>
    %mul3A_123 = vector.broadcast %dot_general3A_28 : vector<1x65xf32> to vector<2048x65xf32>
    %mul3A_124 = arith.mulf %mul3A_123, %dot_general3A_117 : vector<2048x65xf32>
    %add3A_125 = arith.addf %mul3A_122, %mul3A_124 : vector<2048x65xf32>
    %mul3A_126 = vector.broadcast %dot_general3A_28 : vector<1x65xf32> to vector<2048x65xf32>
    %mul3A_127 = arith.mulf %mul3A_126, %dot_general3A_115 : vector<2048x65xf32>
    %mul3A_128 = vector.broadcast %dot_general3A_26 : vector<1x65xf32> to vector<2048x65xf32>
    %mul3A_129 = arith.mulf %mul3A_128, %dot_general3A_117 : vector<2048x65xf32>
    %sub3A_130 = arith.subf %mul3A_127, %mul3A_129 : vector<2048x65xf32>
    %add3A_131 = arith.addf %add3A_100, %add3A_120 : vector<2048x65xf32>
    %add3A_132 = arith.addf %add3A_105, %add3A_125 : vector<2048x65xf32>
    %add3A_133 = arith.addf %sub3A, %sub3A_130 : vector<2048x65xf32>
    %slice3A_134 = vector.extract_strided_slice %get3A_13 {offsets = [0, 128], sizes = [2048, 128], strides = [1, 1]} : vector<2048x512xf32> to vector<2048x128xf32>
    %broadcast_in_dim3A_135 = vector.shape_cast %get3A_2 : vector<128xf32> to vector<1x128xf32>
    %mul3A_136 = vector.broadcast %broadcast_in_dim3A_135 : vector<1x128xf32> to vector<2048x128xf32>
    %mul3A_137 = arith.mulf %slice3A_134, %mul3A_136 : vector<2048x128xf32>
    %dot_general3A_138 = arith.constant dense<0.000000e+00> : vector<2048x65xf32>
    %dot_general3A_139 = tpu.matmul %mul3A_137, %get3A_5, %dot_general3A_138 {dimension_numbers = #tpu.dot_dimension_numbers<[1], [0], [0], [1], [0, 0, 1, 1], [], []>, precision = #tpu.contract_precision<fp32>, transpose_lhs_hint = false} : vector<2048x128xf32>, vector<128x65xf32>, vector<2048x65xf32> -> vector<2048x65xf32>
    %dot_general3A_140 = arith.constant dense<0.000000e+00> : vector<2048x65xf32>
    %dot_general3A_141 = tpu.matmul %mul3A_137, %get3A_8, %dot_general3A_140 {dimension_numbers = #tpu.dot_dimension_numbers<[1], [0], [0], [1], [0, 0, 1, 1], [], []>, precision = #tpu.contract_precision<fp32>, transpose_lhs_hint = false} : vector<2048x128xf32>, vector<128x65xf32>, vector<2048x65xf32> -> vector<2048x65xf32>
    %mul3A_142 = arith.mulf %dot_general3A_139, %dot_general3A_139 : vector<2048x65xf32>
    %mul3A_143 = arith.mulf %dot_general3A_141, %dot_general3A_141 : vector<2048x65xf32>
    %add3A_144 = arith.addf %mul3A_142, %mul3A_143 : vector<2048x65xf32>
    %mul3A_145 = vector.broadcast %dot_general3A_37 : vector<1x65xf32> to vector<2048x65xf32>
    %mul3A_146 = arith.mulf %mul3A_145, %dot_general3A_139 : vector<2048x65xf32>
    %mul3A_147 = vector.broadcast %dot_general3A_39 : vector<1x65xf32> to vector<2048x65xf32>
    %mul3A_148 = arith.mulf %mul3A_147, %dot_general3A_141 : vector<2048x65xf32>
    %add3A_149 = arith.addf %mul3A_146, %mul3A_148 : vector<2048x65xf32>
    %mul3A_150 = vector.broadcast %dot_general3A_39 : vector<1x65xf32> to vector<2048x65xf32>
    %mul3A_151 = arith.mulf %mul3A_150, %dot_general3A_139 : vector<2048x65xf32>
    %mul3A_152 = vector.broadcast %dot_general3A_37 : vector<1x65xf32> to vector<2048x65xf32>
    %mul3A_153 = arith.mulf %mul3A_152, %dot_general3A_141 : vector<2048x65xf32>
    %sub3A_154 = arith.subf %mul3A_151, %mul3A_153 : vector<2048x65xf32>
    %add3A_155 = arith.addf %add3A_131, %add3A_144 : vector<2048x65xf32>
    %add3A_156 = arith.addf %add3A_132, %add3A_149 : vector<2048x65xf32>
    %add3A_157 = arith.addf %add3A_133, %sub3A_154 : vector<2048x65xf32>
    %slice3A_158 = vector.extract_strided_slice %get3A_13 {offsets = [0, 192], sizes = [2048, 128], strides = [1, 1]} : vector<2048x512xf32> to vector<2048x128xf32>
    %broadcast_in_dim3A_159 = vector.shape_cast %get3A_2 : vector<128xf32> to vector<1x128xf32>
    %mul3A_160 = vector.broadcast %broadcast_in_dim3A_159 : vector<1x128xf32> to vector<2048x128xf32>
    %mul3A_161 = arith.mulf %slice3A_158, %mul3A_160 : vector<2048x128xf32>
    %dot_general3A_162 = arith.constant dense<0.000000e+00> : vector<2048x65xf32>
    %dot_general3A_163 = tpu.matmul %mul3A_161, %get3A_5, %dot_general3A_162 {dimension_numbers = #tpu.dot_dimension_numbers<[1], [0], [0], [1], [0, 0, 1, 1], [], []>, precision = #tpu.contract_precision<fp32>, transpose_lhs_hint = false} : vector<2048x128xf32>, vector<128x65xf32>, vector<2048x65xf32> -> vector<2048x65xf32>
    %dot_general3A_164 = arith.constant dense<0.000000e+00> : vector<2048x65xf32>
    %dot_general3A_165 = tpu.matmul %mul3A_161, %get3A_8, %dot_general3A_164 {dimension_numbers = #tpu.dot_dimension_numbers<[1], [0], [0], [1], [0, 0, 1, 1], [], []>, precision = #tpu.contract_precision<fp32>, transpose_lhs_hint = false} : vector<2048x128xf32>, vector<128x65xf32>, vector<2048x65xf32> -> vector<2048x65xf32>
    %mul3A_166 = arith.mulf %dot_general3A_163, %dot_general3A_163 : vector<2048x65xf32>
    %mul3A_167 = arith.mulf %dot_general3A_165, %dot_general3A_165 : vector<2048x65xf32>
    %add3A_168 = arith.addf %mul3A_166, %mul3A_167 : vector<2048x65xf32>
    %mul3A_169 = vector.broadcast %dot_general3A_48 : vector<1x65xf32> to vector<2048x65xf32>
    %mul3A_170 = arith.mulf %mul3A_169, %dot_general3A_163 : vector<2048x65xf32>
    %mul3A_171 = vector.broadcast %dot_general3A_50 : vector<1x65xf32> to vector<2048x65xf32>
    %mul3A_172 = arith.mulf %mul3A_171, %dot_general3A_165 : vector<2048x65xf32>
    %add3A_173 = arith.addf %mul3A_170, %mul3A_172 : vector<2048x65xf32>
    %mul3A_174 = vector.broadcast %dot_general3A_50 : vector<1x65xf32> to vector<2048x65xf32>
    %mul3A_175 = arith.mulf %mul3A_174, %dot_general3A_163 : vector<2048x65xf32>
    %mul3A_176 = vector.broadcast %dot_general3A_48 : vector<1x65xf32> to vector<2048x65xf32>
    %mul3A_177 = arith.mulf %mul3A_176, %dot_general3A_165 : vector<2048x65xf32>
    %sub3A_178 = arith.subf %mul3A_175, %mul3A_177 : vector<2048x65xf32>
    %add3A_179 = arith.addf %add3A_155, %add3A_168 : vector<2048x65xf32>
    %add3A_180 = arith.addf %add3A_156, %add3A_173 : vector<2048x65xf32>
    %add3A_181 = arith.addf %add3A_157, %sub3A_178 : vector<2048x65xf32>
    %slice3A_182 = vector.extract_strided_slice %get3A_13 {offsets = [0, 256], sizes = [2048, 128], strides = [1, 1]} : vector<2048x512xf32> to vector<2048x128xf32>
    %broadcast_in_dim3A_183 = vector.shape_cast %get3A_2 : vector<128xf32> to vector<1x128xf32>
    %mul3A_184 = vector.broadcast %broadcast_in_dim3A_183 : vector<1x128xf32> to vector<2048x128xf32>
    %mul3A_185 = arith.mulf %slice3A_182, %mul3A_184 : vector<2048x128xf32>
    %dot_general3A_186 = arith.constant dense<0.000000e+00> : vector<2048x65xf32>
    %dot_general3A_187 = tpu.matmul %mul3A_185, %get3A_5, %dot_general3A_186 {dimension_numbers = #tpu.dot_dimension_numbers<[1], [0], [0], [1], [0, 0, 1, 1], [], []>, precision = #tpu.contract_precision<fp32>, transpose_lhs_hint = false} : vector<2048x128xf32>, vector<128x65xf32>, vector<2048x65xf32> -> vector<2048x65xf32>
    %dot_general3A_188 = arith.constant dense<0.000000e+00> : vector<2048x65xf32>
    %dot_general3A_189 = tpu.matmul %mul3A_185, %get3A_8, %dot_general3A_188 {dimension_numbers = #tpu.dot_dimension_numbers<[1], [0], [0], [1], [0, 0, 1, 1], [], []>, precision = #tpu.contract_precision<fp32>, transpose_lhs_hint = false} : vector<2048x128xf32>, vector<128x65xf32>, vector<2048x65xf32> -> vector<2048x65xf32>
    %mul3A_190 = arith.mulf %dot_general3A_187, %dot_general3A_187 : vector<2048x65xf32>
    %mul3A_191 = arith.mulf %dot_general3A_189, %dot_general3A_189 : vector<2048x65xf32>
    %add3A_192 = arith.addf %mul3A_190, %mul3A_191 : vector<2048x65xf32>
    %mul3A_193 = vector.broadcast %dot_general3A_59 : vector<1x65xf32> to vector<2048x65xf32>
    %mul3A_194 = arith.mulf %mul3A_193, %dot_general3A_187 : vector<2048x65xf32>
    %mul3A_195 = vector.broadcast %dot_general3A_61 : vector<1x65xf32> to vector<2048x65xf32>
    %mul3A_196 = arith.mulf %mul3A_195, %dot_general3A_189 : vector<2048x65xf32>
    %add3A_197 = arith.addf %mul3A_194, %mul3A_196 : vector<2048x65xf32>
    %mul3A_198 = vector.broadcast %dot_general3A_61 : vector<1x65xf32> to vector<2048x65xf32>
    %mul3A_199 = arith.mulf %mul3A_198, %dot_general3A_187 : vector<2048x65xf32>
    %mul3A_200 = vector.broadcast %dot_general3A_59 : vector<1x65xf32> to vector<2048x65xf32>
    %mul3A_201 = arith.mulf %mul3A_200, %dot_general3A_189 : vector<2048x65xf32>
    %sub3A_202 = arith.subf %mul3A_199, %mul3A_201 : vector<2048x65xf32>
    %add3A_203 = arith.addf %add3A_179, %add3A_192 : vector<2048x65xf32>
    %add3A_204 = arith.addf %add3A_180, %add3A_197 : vector<2048x65xf32>
    %add3A_205 = arith.addf %add3A_181, %sub3A_202 : vector<2048x65xf32>
    %slice3A_206 = vector.extract_strided_slice %get3A_13 {offsets = [0, 320], sizes = [2048, 128], strides = [1, 1]} : vector<2048x512xf32> to vector<2048x128xf32>
    %broadcast_in_dim3A_207 = vector.shape_cast %get3A_2 : vector<128xf32> to vector<1x128xf32>
    %mul3A_208 = vector.broadcast %broadcast_in_dim3A_207 : vector<1x128xf32> to vector<2048x128xf32>
    %mul3A_209 = arith.mulf %slice3A_206, %mul3A_208 : vector<2048x128xf32>
    %dot_general3A_210 = arith.constant dense<0.000000e+00> : vector<2048x65xf32>
    %dot_general3A_211 = tpu.matmul %mul3A_209, %get3A_5, %dot_general3A_210 {dimension_numbers = #tpu.dot_dimension_numbers<[1], [0], [0], [1], [0, 0, 1, 1], [], []>, precision = #tpu.contract_precision<fp32>, transpose_lhs_hint = false} : vector<2048x128xf32>, vector<128x65xf32>, vector<2048x65xf32> -> vector<2048x65xf32>
    %dot_general3A_212 = arith.constant dense<0.000000e+00> : vector<2048x65xf32>
    %dot_general3A_213 = tpu.matmul %mul3A_209, %get3A_8, %dot_general3A_212 {dimension_numbers = #tpu.dot_dimension_numbers<[1], [0], [0], [1], [0, 0, 1, 1], [], []>, precision = #tpu.contract_precision<fp32>, transpose_lhs_hint = false} : vector<2048x128xf32>, vector<128x65xf32>, vector<2048x65xf32> -> vector<2048x65xf32>
    %mul3A_214 = arith.mulf %dot_general3A_211, %dot_general3A_211 : vector<2048x65xf32>
    %mul3A_215 = arith.mulf %dot_general3A_213, %dot_general3A_213 : vector<2048x65xf32>
    %add3A_216 = arith.addf %mul3A_214, %mul3A_215 : vector<2048x65xf32>
    %mul3A_217 = vector.broadcast %dot_general3A_70 : vector<1x65xf32> to vector<2048x65xf32>
    %mul3A_218 = arith.mulf %mul3A_217, %dot_general3A_211 : vector<2048x65xf32>
    %mul3A_219 = vector.broadcast %dot_general3A_72 : vector<1x65xf32> to vector<2048x65xf32>
    %mul3A_220 = arith.mulf %mul3A_219, %dot_general3A_213 : vector<2048x65xf32>
    %add3A_221 = arith.addf %mul3A_218, %mul3A_220 : vector<2048x65xf32>
    %mul3A_222 = vector.broadcast %dot_general3A_72 : vector<1x65xf32> to vector<2048x65xf32>
    %mul3A_223 = arith.mulf %mul3A_222, %dot_general3A_211 : vector<2048x65xf32>
    %mul3A_224 = vector.broadcast %dot_general3A_70 : vector<1x65xf32> to vector<2048x65xf32>
    %mul3A_225 = arith.mulf %mul3A_224, %dot_general3A_213 : vector<2048x65xf32>
    %sub3A_226 = arith.subf %mul3A_223, %mul3A_225 : vector<2048x65xf32>
    %add3A_227 = arith.addf %add3A_203, %add3A_216 : vector<2048x65xf32>
    %add3A_228 = arith.addf %add3A_204, %add3A_221 : vector<2048x65xf32>
    %add3A_229 = arith.addf %add3A_205, %sub3A_226 : vector<2048x65xf32>
    %slice3A_230 = vector.extract_strided_slice %get3A_13 {offsets = [0, 384], sizes = [2048, 128], strides = [1, 1]} : vector<2048x512xf32> to vector<2048x128xf32>
    %broadcast_in_dim3A_231 = vector.shape_cast %get3A_2 : vector<128xf32> to vector<1x128xf32>
    %mul3A_232 = vector.broadcast %broadcast_in_dim3A_231 : vector<1x128xf32> to vector<2048x128xf32>
    %mul3A_233 = arith.mulf %slice3A_230, %mul3A_232 : vector<2048x128xf32>
    %dot_general3A_234 = arith.constant dense<0.000000e+00> : vector<2048x65xf32>
    %dot_general3A_235 = tpu.matmul %mul3A_233, %get3A_5, %dot_general3A_234 {dimension_numbers = #tpu.dot_dimension_numbers<[1], [0], [0], [1], [0, 0, 1, 1], [], []>, precision = #tpu.contract_precision<fp32>, transpose_lhs_hint = false} : vector<2048x128xf32>, vector<128x65xf32>, vector<2048x65xf32> -> vector<2048x65xf32>
    %dot_general3A_236 = arith.constant dense<0.000000e+00> : vector<2048x65xf32>
    %dot_general3A_237 = tpu.matmul %mul3A_233, %get3A_8, %dot_general3A_236 {dimension_numbers = #tpu.dot_dimension_numbers<[1], [0], [0], [1], [0, 0, 1, 1], [], []>, precision = #tpu.contract_precision<fp32>, transpose_lhs_hint = false} : vector<2048x128xf32>, vector<128x65xf32>, vector<2048x65xf32> -> vector<2048x65xf32>
    %mul3A_238 = arith.mulf %dot_general3A_235, %dot_general3A_235 : vector<2048x65xf32>
    %mul3A_239 = arith.mulf %dot_general3A_237, %dot_general3A_237 : vector<2048x65xf32>
    %add3A_240 = arith.addf %mul3A_238, %mul3A_239 : vector<2048x65xf32>
    %mul3A_241 = vector.broadcast %dot_general3A_81 : vector<1x65xf32> to vector<2048x65xf32>
    %mul3A_242 = arith.mulf %mul3A_241, %dot_general3A_235 : vector<2048x65xf32>
    %mul3A_243 = vector.broadcast %dot_general3A_83 : vector<1x65xf32> to vector<2048x65xf32>
    %mul3A_244 = arith.mulf %mul3A_243, %dot_general3A_237 : vector<2048x65xf32>
    %add3A_245 = arith.addf %mul3A_242, %mul3A_244 : vector<2048x65xf32>
    %mul3A_246 = vector.broadcast %dot_general3A_83 : vector<1x65xf32> to vector<2048x65xf32>
    %mul3A_247 = arith.mulf %mul3A_246, %dot_general3A_235 : vector<2048x65xf32>
    %mul3A_248 = vector.broadcast %dot_general3A_81 : vector<1x65xf32> to vector<2048x65xf32>
    %mul3A_249 = arith.mulf %mul3A_248, %dot_general3A_237 : vector<2048x65xf32>
    %sub3A_250 = arith.subf %mul3A_247, %mul3A_249 : vector<2048x65xf32>
    %add3A_251 = arith.addf %add3A_227, %add3A_240 : vector<2048x65xf32>
    %add3A_252 = arith.addf %add3A_228, %add3A_245 : vector<2048x65xf32>
    %add3A_253 = arith.addf %add3A_229, %sub3A_250 : vector<2048x65xf32>
    %div3A_254 = arith.constant 7.000000e+00 : f32
    %div3A_255 = vector.broadcast %div3A_254 : f32 to vector<2048x65xf32>
    %div3A_256 = arith.divf %add3A_251, %div3A_255 : vector<2048x65xf32>
    %div3A_257 = arith.constant 7.000000e+00 : f32
    %div3A_258 = vector.broadcast %div3A_257 : f32 to vector<2048x65xf32>
    %div3A_259 = arith.divf %add3A_252, %div3A_258 : vector<2048x65xf32>
    %div3A_260 = arith.constant 7.000000e+00 : f32
    %div3A_261 = vector.broadcast %div3A_260 : f32 to vector<2048x65xf32>
    %div3A_262 = arith.divf %add3A_253, %div3A_261 : vector<2048x65xf32>
    %mul3A_263 = arith.mulf %div3A_259, %div3A_259 : vector<2048x65xf32>
    %mul3A_264 = arith.mulf %div3A_262, %div3A_262 : vector<2048x65xf32>
    %add3A_265 = arith.addf %mul3A_263, %mul3A_264 : vector<2048x65xf32>
    %mul3A_266 = vector.broadcast %div3A_89 : vector<1x65xf32> to vector<2048x65xf32>
    %mul3A_267 = arith.mulf %mul3A_266, %div3A_256 : vector<2048x65xf32>
    %add3A_268 = arith.constant 9.99999996E-13 : f32
    %add3A_269 = vector.broadcast %add3A_268 : f32 to vector<2048x65xf32>
    %add3A_270 = arith.addf %mul3A_267, %add3A_269 : vector<2048x65xf32>
    %div3A_271 = arith.divf %add3A_265, %add3A_270 : vector<2048x65xf32>
    %reduce_sum3A = arith.constant dense<0.000000e+00> : vector<2048xf32>
    %reduce_sum3A_272 = vector.multi_reduction <add>, %div3A_271, %reduce_sum3A [1] : vector<2048x65xf32> to vector<2048xf32>
    %div3A_273 = arith.constant 6.500000e+01 : f32
    %div3A_274 = vector.broadcast %div3A_273 : f32 to vector<2048xf32>
    %div3A_275 = arith.divf %reduce_sum3A_272, %div3A_274 : vector<2048xf32>
    %swap3A = arith.constant 0 : index
    %swap3A_276 = arith.constant 0 : index
    %swap3A_277 = arith.constant 0 : index
    %swap3A_278 = vector.load %arg7[%swap3A, %swap3A_276, %swap3A_277] : memref<1x1x2048xf32, #tpu.memory_space<vmem>>, vector<1x1x2048xf32>
    %swap3A_279 = vector.shape_cast %swap3A_278 : vector<1x1x2048xf32> to vector<2048xf32>
    %swap3A_280 = vector.shape_cast %div3A_275 : vector<2048xf32> to vector<1x1x2048xf32>
    tpu.vector_store %arg7[%swap3A, %swap3A_276, %swap3A_277], %swap3A_280 {strides = array<i32>} : memref<1x1x2048xf32, #tpu.memory_space<vmem>>, vector<1x1x2048xf32>,
    return
  }
  func.func @transform_0(%arg0: i32, %arg1: i32) -> (i32, i32) {
    %c0_i32 = arith.constant 0 : i32
    %c0_i32_0 = arith.constant 0 : i32
    %c0_i32_1 = arith.constant 0 : i32
    return %c0_i32, %c0_i32_0 : i32, i32
  }
  func.func @transform_1(%arg0: i32, %arg1: i32) -> (i32, i32, i32) {
    %c0_i32 = arith.constant 0 : i32
    %c0_i32_0 = arith.constant 0 : i32
    return %arg0, %arg1, %c0_i32 : i32, i32, i32
  }
  func.func @transform_2(%arg0: i32, %arg1: i32) -> (i32, i32) {
    %c0_i32 = arith.constant 0 : i32
    %c0_i32_0 = arith.constant 0 : i32
    %c0_i32_1 = arith.constant 0 : i32
    return %c0_i32, %c0_i32_0 : i32, i32
  }
  func.func @transform_3(%arg0: i32, %arg1: i32) -> (i32, i32) {
    %c0_i32 = arith.constant 0 : i32
    %c0_i32_0 = arith.constant 0 : i32
    %c0_i32_1 = arith.constant 0 : i32
    return %c0_i32, %c0_i32_0 : i32, i32
  }
  func.func @transform_4(%arg0: i32, %arg1: i32) -> (i32, i32) {
    %c0_i32 = arith.constant 0 : i32
    %c0_i32_0 = arith.constant 0 : i32
    %c0_i32_1 = arith.constant 0 : i32
    return %c0_i32, %c0_i32_0 : i32, i32
  }
  func.func @transform_5(%arg0: i32, %arg1: i32) -> (i32, i32, i32) {
    %c0_i32 = arith.constant 0 : i32
    %c0_i32_0 = arith.constant 0 : i32
    return %arg0, %c0_i32, %arg1 : i32, i32, i32
  }
}

module attributes {stable_mosaic.version = 14 : i64} {
  func.func @_topk_body(%arg0: memref<8x1x4096xf32, #tpu.memory_space<vmem>>, %arg1: memref<8x64xi32, #tpu.memory_space<vmem>>) attributes {dimension_semantics = [], scalar_prefetch = 0 : i64, scratch_operands = 0 : i64, tpu.core_type = #tpu.core_type<tc>} {
    %get3A = arith.constant 0 : index
    %get3A_0 = arith.constant 0 : index
    %get3A_1 = arith.constant 0 : index
    %get3A_2 = vector.load %arg0[%get3A, %get3A_0, %get3A_1] : memref<8x1x4096xf32, #tpu.memory_space<vmem>>, vector<8x1x4096xf32>
    %get3A_3 = vector.shape_cast %get3A_2 : vector<8x1x4096xf32> to vector<8x4096xf32>
    %iota3A = tpu.iota {dimensions = array<i32: 1>} : vector<8x4096xi32>
    %iota3A_4 = tpu.iota {dimensions = array<i32: 0>} : vector<8x1xi32>
    %mul3A = arith.constant 4096 : i32
    %mul3A_5 = vector.broadcast %mul3A : i32 to vector<8x1xi32>
    %mul3A_6 = arith.muli %iota3A_4, %mul3A_5 : vector<8x1xi32>
    %iota3A_7 = tpu.iota {dimensions = array<i32: 1>} : vector<8x64xi32>
    %broadcast_in_dim3A = arith.constant 0 : i32
    %broadcast_in_dim3A_8 = vector.broadcast %broadcast_in_dim3A : i32 to vector<8x64xi32>
    %scan3A = arith.constant 0 : i32
    %scan3A_9 = arith.constant 64 : i32
    %scan3A_10 = arith.addi %scan3A, %scan3A_9 : i32
    %scan3A_11 = arith.constant 1 : i32
    %scan3A_12:2 = scf.for %scan3A_16 = %scan3A to %scan3A_10 step %scan3A_11 iter_args(%scan3A_17 = %get3A_3, %scan3A_18 = %broadcast_in_dim3A_8) -> (vector<8x4096xf32>, vector<8x64xi32>)  : i32 {
      %reduce_max3A = arith.constant dense<0xFF800000> : vector<8xf32>
      %reduce_max3A_19 = vector.multi_reduction <maximumf>, %scan3A_17, %reduce_max3A [1] : vector<8x4096xf32> to vector<8xf32>
      %broadcast_in_dim3A_20 = vector.shape_cast %reduce_max3A_19 : vector<8xf32> to vector<8x1xf32>
      %eq3A = vector.broadcast %broadcast_in_dim3A_20 : vector<8x1xf32> to vector<8x4096xf32>
      %eq3A_21 = arith.cmpf oeq, %scan3A_17, %eq3A : vector<8x4096xf32>
      %jit3A = arith.constant 4096 : i32
      %broadcast_in_dim3A_22 = vector.broadcast %jit3A : i32 to vector<8x4096xi32>
      %select_n3A = arith.select %eq3A_21, %iota3A, %broadcast_in_dim3A_22 : vector<8x4096xi1>, vector<8x4096xi32>
      %reduce_min3A = arith.constant dense<2147483647> : vector<8xi32>
      %reduce_min3A_23 = vector.multi_reduction <minsi>, %select_n3A, %reduce_min3A [1] : vector<8x4096xi32> to vector<8xi32>
      %broadcast_in_dim3A_24 = vector.shape_cast %reduce_min3A_23 : vector<8xi32> to vector<8x1xi32>
      %eq3A_25 = vector.broadcast %scan3A_16 : i32 to vector<8x64xi32>
      %eq3A_26 = arith.cmpi eq, %iota3A_7, %eq3A_25 : vector<8x64xi32>
      %add3A = arith.addi %broadcast_in_dim3A_24, %mul3A_6 : vector<8x1xi32>
      %broadcast_in_dim3A_27 = vector.shape_cast %add3A : vector<8x1xi32> to vector<8x1xi32>
      %broadcast_in_dim3A_28 = vector.broadcast %broadcast_in_dim3A_27 : vector<8x1xi32> to vector<8x64xi32>
      %select_n3A_29 = arith.select %eq3A_26, %broadcast_in_dim3A_28, %scan3A_18 : vector<8x64xi1>, vector<8x64xi32>
      %eq3A_30 = vector.broadcast %broadcast_in_dim3A_24 : vector<8x1xi32> to vector<8x4096xi32>
      %eq3A_31 = arith.cmpi eq, %iota3A, %eq3A_30 : vector<8x4096xi32>
      %jit3A_32 = arith.constant -1.000000e+00 : f32
      %broadcast_in_dim3A_33 = vector.broadcast %jit3A_32 : f32 to vector<8x4096xf32>
      %select_n3A_34 = arith.select %eq3A_31, %broadcast_in_dim3A_33, %scan3A_17 : vector<8x4096xi1>, vector<8x4096xf32>
      scf.yield %select_n3A_34, %select_n3A_29 : vector<8x4096xf32>, vector<8x64xi32>
    }
    %scan3A_13 = arith.constant 64 : i32
    %swap3A = arith.constant 0 : index
    %swap3A_14 = arith.constant 0 : index
    %swap3A_15 = vector.load %arg1[%swap3A, %swap3A_14] : memref<8x64xi32, #tpu.memory_space<vmem>>, vector<8x64xi32>
    tpu.vector_store %arg1[%swap3A, %swap3A_14], %scan3A_12#1 {strides = array<i32>} : memref<8x64xi32, #tpu.memory_space<vmem>>, vector<8x64xi32>,
    return
  }
}

</mosaic_0001>

<sc_bundles>
// kernel: kernel.5.cloned.1.call-start
scs
__scs_entry_jumppad:
0x0: {  	(pc) =	sbr.rel $0x88, $3  }
0x1: {  	(tag) =	ssettag $0x0;
	lr =	simm.s32 $0x1  }
0x2: {  	[smem:$0x3F9F] =	sst lr;
	_ =	strace $0xD0000000  }
0x3: {  	_ = 	snop  }
0x4: {  	_ = 	snop  }
0x5: {  	_ = 	snop  }
0x6: {  	_ = 	snop  }
0x7: {  	_ = 	snop  }
__scs_overlays_trampoline_lowered:
0x8: {  	[smem:$0x3FAE] =	sst s0  }
0x9: {  	[smem:$0x3FAF] =	sst s1  }
0xa: {  	[smem:$0x3FB0] =	sst s2  }
0xb: {  	[smem:$0x3FB1] =	sst s3  }
0xc: {  	[smem:$0x3FB2] =	sst s4  }
0xd: {  	[smem:$0x3FB3] =	sst s5  }
0xe: {  	[smem:$0x3FB4] =	sst s6  }
0xf: {  	[smem:$0x3FB5] =	sst s7  }
0x10: {  	[smem:$0x3FB6] =	sst s8  }
0x11: {  	[smem:$0x3FB7] =	sst s9;
	s0 =	simm.s32 @!p0 $0x0  }
0x12: {  	s1 =	sld [smem:$0x3F9D];
	s0 =	simm.s32 @p0 $0x1  }
0x13: {  	[smem:$0x3FB8] =	sst s0;
	s0 =	simm.s32 @!p1 $0x0  }
0x14: {  	s2 =	sld [smem:$0x3F9C];
	s0 =	simm.s32 @p1 $0x1  }
0x15: {  	[smem:$0x3FB9] =	sst s0;
	s0 =	simm.s32 @!p2 $0x0  }
0x16: {  	s3 =	sld [smem:$0x3FDB];
	s0 =	simm.s32 @p2 $0x1  }
0x17: {  	s4 =	simm.s32 $0x1BF5;
	[smem:$0x3FBB] =	sst s0  }
0x18: {  	s0 =	sld [smem:$0x3F9E];
	_ =	swait.ge [sflag:s4], $0x0  }
0x19: {  	s7 =	sld [smem:$0x3F9F]  }
0x1a: {  	s8 =	sadd.s32 $0xFFFFE003, lr  }
0x1b: {  	s9 =	sadd.s32 $0xFFFFFEF7, lr;
	s5 =	simm.s32 $0xFFFFFFFF;
	p2 =	slt.u32 s8, $0xFFFFF086  }
0x1c: {  	p1 =	slt.u32 s9, $0xF7A;
	s5 =	simm.s32 @!p2 $0x0  }
0x1d: {  	s5 =	simm.s32 @p1 $0x1;
	p0 =	seq.s32 s7, s2  }
0x1e: {  	s7 =	smul.u32 @!p0 $0xF7A, s2;
	p2 =	seq.s32 @!p0 s5, $0x0  }
0x1f: {  	s9 =	smul.u32 $0xF7A, s1;
	s8 =	simm.s32 @!p0 $0x1BF5;
	p2 =	por !p2, p0  }
0x20: {  	[sflag:s8] =	ssyncset.s32 @!p0 $0xFFFFF086;
	s6 =	sadd.s32 @!p0 s3, s7;
	s7 =	simm.s32 @!p0 $0x108  }
0x21: {  	s3 =	sadd.s32 s3, s9;
	s6 =	sadd.s32 @!p0 $0x88, s6;
	s7 =	simm.s32 @p2 $0x1082  }
0x22: {  	[simem:s7], [sflag:s8] =	dma.local @!p0 [hbm:s6], $0xF7A  }
0x23: {  	s9 =	sor.u32 $0xD0000000, s2;
	s6 =	simm.s32 $0x108;
	_ =	swait.ge @!p0 [sflag:s8], $0x0  }
0x24: {  	s3 =	sadd.s32 $0x88, s3;
	s6 =	simm.s32 @!p1 $0x1082;
	[sflag:s4] =	ssyncset.s32 $0xFFFFF086  }
0x25: {  	[simem:s6], [sflag:s4] =	dma.local [hbm:s3], $0xF7A  }
0x26: {  	[smem:$0x3F9F] =	sst s1;
	(tag) =	ssettag s2;
	_ =	strace s9  }
0x27: {  	s1 =	sld [smem:$0x3FAF]  }
0x28: {  	s2 =	sld [smem:$0x3FB0]  }
0x29: {  	s4 =	sld [smem:$0x3FB2]  }
0x2a: {  	p0 =	seq.s32 s5, $0x0;
	s5 =	sld [smem:$0x3FB3]  }
0x2b: {  	s6 =	sld [smem:$0x3FB4]  }
0x2c: {  	s7 =	sld [smem:$0x3FB5]  }
0x2d: {  	s3 =	simm.s32 $0x108;
	s8 =	sld [smem:$0x3FB6]  }
0x2e: {  	s3 =	simm.s32 @!p0 $0x1082;
	s9 =	sld [smem:$0x3FB7]  }
0x2f: {  	lr =	sadd.s32 s0, s3;
	s0 =	sld [smem:$0x3FAE]  }
0x30: {  	s3 =	sld [smem:$0x3FB1]  }
0x31: {  	[smem:$0x3FBA] =	sst s10  }
0x32: {  	s10 =	sld [smem:$0x3FB8];
	_ =	sdelay $0x3  }
0x33: {  	p0 =	seq.s32 s10, $0x1;
	s10 =	sld [smem:$0x3FBA];
	_ =	sdelay $0x3  }
0x34: {  	[smem:$0x3FBA] =	sst s10  }
0x35: {  	s10 =	sld [smem:$0x3FB9];
	_ =	sdelay $0x3  }
0x36: {  	p1 =	seq.s32 s10, $0x1;
	s10 =	sld [smem:$0x3FBA];
	_ =	sdelay $0x3  }
0x37: {  	[smem:$0x3FBA] =	sst s10  }
0x38: {  	s10 =	sld [smem:$0x3FBB]  }
0x39: {  	_ = 	snop;
	(pc) =	sbr.ind lr, $3  }
0x3a: {  	_ = 	snop  }
0x3b: {  	_ = 	snop  }
0x3c: {  	p2 =	seq.s32 s10, $0x1;
	s10 =	sld [smem:$0x3FBA]  }
0x3d: {  	_ =	shalt  }
0x3e: {  	_ =	shalt  }
0x3f: {  	_ =	shalt  }
0x40: {  	_ =	shalt  }
0x41: {  	_ =	shalt  }
0x42: {  	_ =	shalt  }
0x43: {  	_ =	shalt  }
0x44: {  	_ =	shalt  }
0x45: {  	_ =	shalt  }
0x46: {  	_ =	shalt  }
0x47: {  	_ =	shalt  }
0x48: {  	_ =	shalt  }
0x49: {  	_ =	shalt  }
0x4a: {  	_ =	shalt  }
0x4b: {  	_ =	shalt  }
0x4c: {  	_ =	shalt  }
0x4d: {  	_ =	shalt  }
0x4e: {  	_ =	shalt  }
0x4f: {  	_ =	shalt  }
0x50: {  	_ =	shalt  }
0x51: {  	_ =	shalt  }
0x52: {  	_ =	shalt  }
0x53: {  	_ =	shalt  }
0x54: {  	_ =	shalt  }
0x55: {  	_ =	shalt  }
0x56: {  	_ =	shalt  }
0x57: {  	_ =	shalt  }
0x58: {  	_ =	shalt  }
0x59: {  	_ =	shalt  }
0x5a: {  	_ =	shalt  }
0x5b: {  	_ =	shalt  }
0x5c: {  	_ =	shalt  }
0x5d: {  	_ =	shalt  }
0x5e: {  	_ =	shalt  }
0x5f: {  	_ =	shalt  }
0x60: {  	_ =	shalt  }
0x61: {  	_ =	shalt  }
0x62: {  	_ =	shalt  }
0x63: {  	_ =	shalt  }
0x64: {  	_ =	shalt  }
0x65: {  	_ =	shalt  }
0x66: {  	_ =	shalt  }
0x67: {  	_ =	shalt  }
0x68: {  	_ =	shalt  }
0x69: {  	_ =	shalt  }
0x6a: {  	_ =	shalt  }
0x6b: {  	_ =	shalt  }
0x6c: {  	_ =	shalt  }
0x6d: {  	_ =	shalt  }
0x6e: {  	_ =	shalt  }
0x6f: {  	_ =	shalt  }
0x70: {  	_ =	shalt  }
0x71: {  	_ =	shalt  }
0x72: {  	_ =	shalt  }
0x73: {  	_ =	shalt  }
0x74: {  	_ =	shalt  }
0x75: {  	_ =	shalt  }
0x76: {  	_ =	shalt  }
0x77: {  	_ =	shalt  }
0x78: {  	_ =	shalt  }
0x79: {  	_ =	shalt  }
0x7a: {  	_ =	shalt  }
0x7b: {  	_ =	shalt  }
0x7c: {  	_ =	shalt  }
0x7d: {  	_ =	shalt  }
0x7e: {  	_ =	shalt  }
0x7f: {  	_ =	shalt  }
0x80: {  	_ =	shalt  }
0x81: {  	_ =	shalt  }
0x82: {  	_ =	shalt  }
0x83: {  	_ =	shalt  }
0x84: {  	_ =	shalt  }
0x85: {  	_ =	shalt  }
0x86: {  	_ =	shalt  }
0x87: {  	_ =	shalt  }
.Lfunc_end0:
.L_simem_size_0:
called_computation_lowered:
.L_overlay_start_0:
0x88: {  	s2 =	sld [smem:$0x3FD9]  }
0x89: {  	s3 =	sld [smem:$0x3FFE];
	_ =	sdelay $0x1  }
0x8a: {  	s1 =	srdreg.scid  }
0x8b: {  	s0 =	sand.u32 $0x1, s1  }
0x8c: {  	s17 =	sshll.u32 s0, $0xA;
	s2 =	sadd.s32 s3, s2  }
0x8d: {  	s2 =	sadd.s32 s2, s17  }
0x8e: {  	[smem:$0x3FC6] =	sst s2  }
0x8f: {  	_ = 	snop  }
0x90: {  	s2 =	sld [smem:$0x3FC8]  }
0x91: {  	s18 =	sld [smem:$0x3FD0];
	(tm) =	ssettm $0x1  }
0x92: {  	s4 =	sld [smem:$0x3FFB];
	_ =	sdelay $0x3  }
0x93: {  	_ =	strace s4  }
0x94: {  	s4 =	sld [smem:$0x3FFC];
	_ =	sdelay $0x3  }
0x95: {  	_ =	strace s4  }
0x96: {  	s4 =	sld [smem:$0x3FFD];
	_ =	sdelay $0x3  }
0x97: {  	_ =	strace s4  }
0x98: {  	_ =	strace $0x8FFFFFFF  }
0x99: {  	s19 =	sld [smem:$0x3FDB];
	_ =	sdelay $0x1  }
0x9a: {  	s5 =	simm.s32 $_scs_section_size  }
0x9b: {  	s6 =	simm.s32 $_size__tile_overlayer_lowered;
	s7 =	simm.s32 $_tile_overlayer_lowered  }
0x9c: {  	s22 =	simm.s32 $0x1BFF;
	s21 =	sshll.u32 s7, $0x1;
	s4 =	sadd.s32 s5, s19  }
0x9d: {  	s8 =	simm.s32 $0x0;
	s20 =	sshll.u32 s6, $0x1;
	s6 =	sadd.s32 s21, s4  }
0x9e: {  	[timem:s8], [sflag:s22] =	dma.local [hbm:s6], s20  }
0x9f: {  	_ =	swait.ge [sflag:s22], s20  }
0xa0: {  	s5 =	ssub.s32 $0x0, s20;
	[sflag:s22] =	ssyncset.done $0x0  }
0xa1: {  	[sflag:s22] =	ssyncadd.s32 s5;
	_ =	sdelay $0x1  }
0xa2: {  	s23 =	simm.s32 $0x1B8B  }
0xa3: {  	_ =	swait.ge [sflag:s23], $0x1  }
0xa4: {  	[sflag:s23] =	ssyncset.done $0x0  }
0xa5: {  	s25 =	simm.s32 $0x1B8E;
	s24 =	sld [smem:$0x3FFE];
	[sflag:s23] =	ssyncadd.s32 $0xFFFFFFFF  }
0xa6: {  	s26 =	simm.s32 $execute0_lowered;
	[smem:$0x3FD2] =	sst s25  }
0xa7: {  	s6 =	sshll.u32 s26, $0x1;
	_ =	strace $0x80000046;
	[dreg:$0x1] =	wrdreg $0xFFFFFFFF  }
0xa8: {  	s28 =	simm.s32 $_size_execute0_lowered;
	s4 =	sadd.s32 s4, s6;
	[dreg:$0x0] =	wrdreg $0x0  }
0xa9: {  	s6 =	sshll.u32 s28, $0x1;
	[dreg:$0x2] =	wrdreg s4  }
0xaa: {  	[dreg:$0x3] =	wrdreg s6  }
0xab: {  	[dreg:$0x4] =	wrdreg $0xC0  }
0xac: {  	_ =	task [dreg:s8], $0x5FFFF  }
0xad: {  	[dreg:$0x1] =	wrdreg $0xFFFFFFFF  }
0xae: {  	[dreg:$0x0] =	wrdreg $0x60  }
0xaf: {  	[dreg:$0x2] =	wrdreg s2  }
0xb0: {  	[dreg:$0x3] =	wrdreg s24  }
0xb1: {  	[dreg:$0x4] =	wrdreg s18  }
0xb2: {  	[dreg:$0x5] =	wrdreg $0x9  }
0xb3: {  	_ =	task.clear_ibuf [dreg:s8], $0x6FFFF;
	_ =	strace $0x90000046  }
0xb4: {  	s29 =	simm.s32 $0x9;
	_ =	strace $0x80000048  }
0xb5: {  	_ =	swait.ge [sflag:s29], $0x1  }
0xb6: {  	[sflag:s29] =	ssyncadd.s32 $0xFFFFFFFF  }
0xb7: {  	_ =	strace $0x90000048  }
0xb8: {  	_ =	sfence  }
0xb9: {  	s30 =	sld [smem:$0x0];
	_ =	sdelay $0x2  }
0xba: {  	s31 =	sshll.u32 s1, $0xD;
	s1 =	sshrl.u32 s1, $0x2  }
0xbb: {  	s3 =	sand.u32 $0x4000, s31;
	s1 =	sadd.s32 s1, s30  }
0xbc: {  	s0 =	sor.u32 s3, s0;
	s1 =	sshll.u32 s1, $0x11  }
0xbd: {  	s0 =	sor.u32 s1, s0  }
0xbe: {  	s0 =	sadd.s32 $0x8F2B, s0  }
0xbf: {  	[sflag:s0] =	ssyncadd.remote.s32 $0x1  }
0xc0: {  	_ =	sfence.sel $0xFFFF  }
0xc1: {  	[dreg:$0x0] =	wrdreg $0xFFFFFFFF;
	(pc) =	sbr.abs _section_cstart, $3  }
0xc2: {  	[dreg:$0x1] =	wrdreg $0xFFFFFFFF  }
0xc3: {  	_ =	task.clear_ibuf [dreg:s8], $0x2FFFF;
	_ =	strace $0x9FFFFFFF  }
0xc4: {  	(tm) =	ssettm $0x7FFFFFFF  }
0xc5: {  	_ =	shalt  }
tec
execute0_lowered:
.L_overlay_start_1:
0x0: {  	(tag) =	ssettag $0x1  }
0x1: {  	s2 =	srdreg.scid  }
0x2: {  	s1 =	rddreg [dreg:$0x0];
	s0 =	stileid.u32;
	s10 =	sand.u32 $0x1, s2  }
0x3: {  	s4 =	rddreg [dreg:$0x1];
	s30 =	sshll.u32 s0, $0x5;
	s3 =	sshll.u32 s10, $0x4  }
0x4: {  	s12 =	rddreg [dreg:$0x2];
	s13 =	sor.u32 s3, s30  }
0x5: {  	s2 =	rddreg [dreg:$0x3];
	s3 =	simm.s32 $0x0;
	s5 =	sshrl.u32 s13, $0x3  }
0x6: {  	[smem:$0x7FF] =	sst s3;
	s4 =	sadd.s32 s5, s4  }
0x7: {  	_ =	strace $0x80000047;
	s5 =	sadd.s32 $0x200, s4;
	s4 =	simm.s32 $0x2  }
0x8: {  	[tilespmem:s3], [sflag:$0x2] =	stream.linear.gather [hbm4b:s5+s3], $0x10, $0x38;
	[tilespmem:$0x2080] =	vst v63  }
0x9: {  	_ =	swait.ge [sflag:s4], $0x10  }
0xa: {  	[sflag:s4] =	ssyncset.done $0x0  }
0xb: {  	[sflag:s4] =	ssyncadd.s32 $0xFFFFFFF0  }
0xc: {  	v0 =	vld [tilespmem:$0x0];
	_ =	sdelay $0x4  }
0xd: {  	v1 =	vshll.u32 v0, $0x2  }
0xe: {  	v2 =	vlaneseq.u32;
	v3 =	vand.u32 $0x7, v0;
	v1 =	vand.u32 $0xFFFFFFE0, v1  }
0xf: {  	v4 =	vshrl.u32 v2, $0x3;
	v0 =	vand.u32 $0x7, v2;
	v3 =	vor.u32 v3, v1  }
0x10: {  	v1 =	vmul.u32 $0x8, v4;
	v63 =	vperm.xlane v3, v0;
	_ =	sdelay $0x1  }
0x11: {  	v4 =	vadd.s32 v1, v63  }
0x12: {  	v2 =	vor.u32 $0x8, v2  }
0x13: {  	v3 =	vperm.xlane v3, v2;
	_ =	sdelay $0x1  }
0x14: {  	vm0 =	vmmov $0xffff;
	s6 =	simm.s32 $0x80;
	s14 =	ssub.s32 $0x2, s10;
	v3 =	vadd.s32 v1, v3  }
0x15: {  	[tilespmem:s6], [sflag:$0x1] =	stream.indirect_vreg.gather [hbm4b:s1+s3], $0x80, v4, vm0, $0xb8;
	[tilespmem:$0x2080] =	vst v63  }
0x16: {  	s8 =	simm.s32 $0x880;
	s7 =	sadd.s32 $0x100, s1;
	s15 =	sshrl.u32 s14, $0x1  }
0x17: {  	[tilespmem:s8], [sflag:$0x1] =	stream.indirect_vreg.gather [hbm4b:s7+s3], $0x80, v4, vm0, $0xb8;
	[tilespmem:$0x2080] =	vst v63  }
0x18: {  	s9 =	simm.s32 $0x1080;
	s14 =	ssub.s32 s14, s15  }
0x19: {  	[tilespmem:s9], [sflag:$0x1] =	stream.indirect_vreg.gather [hbm4b:s1+s3], $0x80, v3, vm0, $0xb8;
	[tilespmem:$0x2080] =	vst v63  }
0x1a: {  	s11 =	simm.s32 $0x1;
	s10 =	simm.s32 $0x1880;
	s31 =	smax.u32 s14, $0x1  }
0x1b: {  	[tilespmem:s10], [sflag:$0x1] =	stream.indirect_vreg.gather [hbm4b:s7+s3], $0x80, v3, vm0, $0xb8;
	[tilespmem:$0x2080] =	vst v63  }
0x1c: {  	p0 =	sne.s32 s31, $0x1;
	_ =	swait.ge [sflag:s11], $0x2000  }
.Ltmp0:
0x1d: {  	s13 =	sshll.u32 s13, $0x6;
	[sflag:s11] =	ssyncset.done $0x0;
	(pc) =	sbr.rel @!p0 .LBB2_2-.Ltmp0, $4  }
0x1e: {  	s12 =	sadd.s32 s12, s13;
	[sflag:s11] =	ssyncadd.s32 $0xFFFFE000  }
0x1f: {  	[hbm4b:s12+s3] =	stream.linear.scatter [tilespmem:s6], [sflag:$0x2], $0x2000, $0x38;
	[tilespmem:$0x2080] =	vst v63  }
0x20: {  	_ =	swait.ge [sflag:s4], $0x2000  }
0x21: {  	s13 =	sadd.s32 $0xFFFFFFFF, s31;
	[sflag:s4] =	ssyncset.done $0x0  }
.LBB2_1:
0x22: {  	p0 =	sne.s32 s13, $0x1;
	s13 =	sadd.s32 $0xFFFFFFFF, s13;
	[sflag:s4] =	ssyncadd.s32 $0xFFFFE000  }
0x23: {  	[tilespmem:s3], [sflag:$0x2] =	stream.linear.gather [hbm4b:s5+s3], $0x10, $0x38;
	[tilespmem:$0x2080] =	vst v63  }
0x24: {  	_ =	swait.ge [sflag:s4], $0x10  }
0x25: {  	[sflag:s4] =	ssyncset.done $0x0  }
0x26: {  	[sflag:s4] =	ssyncadd.s32 $0xFFFFFFF0  }
0x27: {  	v3 =	vld [tilespmem:$0x0];
	_ =	sdelay $0x4  }
0x28: {  	v4 =	vshll.u32 v3, $0x2  }
0x29: {  	v3 =	vand.u32 $0x7, v3;
	v4 =	vand.u32 $0xFFFFFFE0, v4  }
0x2a: {  	v3 =	vor.u32 v3, v4  }
0x2b: {  	v4 =	vperm.xlane v3, v0;
	v3 =	vperm.xlane v3, v2;
	_ =	sdelay $0x1  }
0x2c: {  	v4 =	vadd.s32 v1, v4;
	_ =	sdelay $0x3  }
0x2d: {  	v3 =	vadd.s32 v1, v3  }
0x2e: {  	[tilespmem:s6], [sflag:$0x1] =	stream.indirect_vreg.gather [hbm4b:s1+s3], $0x80, v4, vm0, $0xb8;
	[tilespmem:$0x2080] =	vst v63  }
0x2f: {  	_ = 	snop  }
0x30: {  	[tilespmem:s8], [sflag:$0x1] =	stream.indirect_vreg.gather [hbm4b:s7+s3], $0x80, v4, vm0, $0xb8;
	[tilespmem:$0x2080] =	vst v63  }
0x31: {  	_ = 	snop  }
0x32: {  	[tilespmem:s9], [sflag:$0x1] =	stream.indirect_vreg.gather [hbm4b:s1+s3], $0x80, v3, vm0, $0xb8;
	[tilespmem:$0x2080] =	vst v63  }
0x33: {  	_ = 	snop  }
0x34: {  	[tilespmem:s10], [sflag:$0x1] =	stream.indirect_vreg.gather [hbm4b:s7+s3], $0x80, v3, vm0, $0xb8;
	[tilespmem:$0x2080] =	vst v63  }
0x35: {  	_ =	swait.ge [sflag:s11], $0x2000  }
.Ltmp1:
0x36: {  	[sflag:s11] =	ssyncset.done $0x0;
	(pc) =	sbr.rel @p0 .LBB2_1-.Ltmp1, $4  }
0x37: {  	[sflag:s11] =	ssyncadd.s32 $0xFFFFE000  }
0x38: {  	[hbm4b:s12+s3] =	stream.linear.scatter [tilespmem:s6], [sflag:$0x2], $0x2000, $0x38;
	[tilespmem:$0x2080] =	vst v63  }
0x39: {  	_ =	swait.ge [sflag:s4], $0x2000  }
0x3a: {  	[sflag:s4] =	ssyncset.done $0x0  }
.LBB2_2:
0x3b: {  	[sflag:s4] =	ssyncadd.s32 $0xFFFFE000  }
0x3c: {  	_ =	sfence.sel $0x180000  }
0x3d: {  	[bflag:$0x0] =	sbarrier.arrive $0xFFFF  }
0x3e: {  	p0 =	sne.s32 s0, $0x0;
	_ =	strace $0x90000047  }
0x3f: {  	s0 =	sadd.s32 @!p0 $0x100000, s2;
	[bflag:$0x2] =	sbarrier.arrive $0xFFFF  }
0x40: {  	[sflag:s0] =	ssyncadd.tile.s32 @!p0 $0x1;
	_ =	shalt  }
.Lfunc_end2:
_tile_overlayer_lowered:
.L_overlay_start_2:
0x41: {  	(tag) =	ssettag $0x2  }
0x42: {  	s0 =	rddreg [dreg:$0x0];
	s2 =	stileid.u32  }
0x43: {  	s1 =	rddreg [dreg:$0x1];
	p0 =	sne.s32 s2, $0x0  }
0x44: {  	s3 =	rddreg [dreg:$0x2];
	[bflag:$0x3] =	sbarrier.arrive $0xFFFF;
	s2 =	simm.s32 @!p0 $0x1C02  }
0x45: {  	[timem:s3], [sflag:s2] =	dma.local @!p0 [hbm:s0], s1  }
0x46: {  	s0 =	simm.s32 @!p0 $0x2  }
0x47: {  	_ =	swait.ge @!p0 [sflag:s0], s1  }
0x48: {  	s1 =	ssub.s32 @!p0 $0x0, s1;
	[sflag:s0] =	ssyncset.done @!p0 $0x0  }
0x49: {  	[sflag:s0] =	ssyncadd.s32 @!p0 s1  }
0x4a: {  	[bflag:$0x3] =	sbarrier.arrive $0xFFFF  }
0x4b: {  	_ =	shalt  }

</sc_bundles>
